<compile_context>
chip_gen: v7x
topology: tpu7x:2x2x1
jax: 0.10.2.dev20260603
libtpu: 0.0.44.dev20260713+nightly
codegen_flags: <defaults>
</compile_context>

<pallas_src>
import jax
import jax.numpy as jnp
from jax import lax
from jax.experimental import pallas as pl
from jax.experimental.pallas import tpu as pltpu
from jax.experimental.pallas import tpu_sc as plsc

_T = 32
_H = 1024
_I = 768
_E = 64
_K = 8

_NC = 2
_NS = 16
_L = 16
_NW = _NC * _NS

_EB = 1


def _routing_body(idx_hbm, w_hbm, out_hbm, idx_v, w_v, row_v):
    c = lax.axis_index("c")
    s = lax.axis_index("s")
    wid = s * _NC + c
    pltpu.sync_copy(idx_hbm, idx_v)
    pltpu.sync_copy(w_hbm, w_v)
    for j in range(2):
        ev = jnp.full((_L,), wid * 2 + j, jnp.int32)
        for half in range(2):
            acc = jnp.zeros((_L,), jnp.float32)
            for k in range(_K):
                iv = idx_v[pl.ds(k * _T + half * _L, _L)]
                wv = w_v[pl.ds(k * _T + half * _L, _L)]
                acc = acc + jnp.where(iv == ev, wv, 0.0)
            row_v[pl.ds(j * _T + half * _L, _L)] = acc
    pltpu.sync_copy(row_v, out_hbm.at[pl.ds(wid * (2 * _T), 2 * _T)])


def _routing_sc(top_k_index, top_k_weights):
    idx = top_k_index.T.reshape(-1)
    w = top_k_weights.T.reshape(-1)
    mesh = plsc.VectorSubcoreMesh(core_axis_name="c", subcore_axis_name="s")
    fn = pl.kernel(
        _routing_body,
        out_type=jax.ShapeDtypeStruct((_E * _T,), jnp.float32),
        mesh=mesh,
        scratch_types=[
            pltpu.VMEM((_T * _K,), jnp.int32),
            pltpu.VMEM((_T * _K,), jnp.float32),
            pltpu.VMEM((2 * _T,), jnp.float32),
        ],
    )
    return fn(idx, w)


def _moe_body(routing_ref, x_ref, gate_ref, up_ref, down_ref, out_ref):
    i = pl.program_id(0)

    @pl.when(i == 0)
    def _init():
        out_ref[...] = jnp.zeros_like(out_ref)

    xb = x_ref[...].astype(jnp.bfloat16)
    dims = (((1,), (1,)), ((), ()))
    acc = jnp.zeros_like(out_ref)
    for j in range(_EB):
        gb = gate_ref[j].astype(jnp.bfloat16)
        ub = up_ref[j].astype(jnp.bfloat16)
        db = down_ref[j].astype(jnp.bfloat16)
        g = jax.lax.dot_general(xb, gb, dims, preferred_element_type=jnp.float32)
        u = jax.lax.dot_general(xb, ub, dims, preferred_element_type=jnp.float32)
        h = (g * jax.nn.sigmoid(g) * u).astype(jnp.bfloat16)
        o = jax.lax.dot_general(h, db, dims, preferred_element_type=jnp.float32)
        wcol = routing_ref[0, j].reshape(_T, 1)
        acc = acc + o * wcol
    out_ref[...] += acc


def kernel(hidden_states, top_k_index, top_k_weights, gate_proj, up_proj, down_proj):
    idx = top_k_index.astype(jnp.int32)
    routing = _routing_sc(idx, top_k_weights).reshape(_E // _EB, _EB, _T)
    grid = (_E // _EB,)
    out = pl.pallas_call(
        _moe_body,
        grid=grid,
        in_specs=[
            pl.BlockSpec((1, _EB, _T), lambda e: (e, 0, 0)),
            pl.BlockSpec((_T, _H), lambda e: (0, 0)),
            pl.BlockSpec((_EB, _I, _H), lambda e: (e, 0, 0)),
            pl.BlockSpec((_EB, _I, _H), lambda e: (e, 0, 0)),
            pl.BlockSpec((_EB, _H, _I), lambda e: (e, 0, 0)),
        ],
        out_specs=pl.BlockSpec((_T, _H), lambda e: (0, 0)),
        out_shape=jax.ShapeDtypeStruct((_T, _H), jnp.float32),
        compiler_params=pltpu.CompilerParams(
            dimension_semantics=("arbitrary",),
        ),
    )(routing, hidden_states, gate_proj, up_proj, down_proj)
    return out

# --- scband reference (transcript-rebuilt; emitter-appended) ---
"""Pipeline reference for scband-patch-qwen3-moe-experts-3341484556619 (READ-ONLY COPY).

The authoritative reference and input builder live on the scoring server;
editing this copy changes nothing except your own understanding.
"""

import jax, jax.numpy as jnp
import numpy as np

NUM_EXPERTS = 64
HIDDEN = 1024
INTER = 768
TOKENS = 32
TOP_K = 8


def setup_inputs(seed: int = 0) -> dict:
    key = jax.random.key(seed)
    k1, k2, k3, k4, k5, k6 = jax.random.split(key, 6)
    hidden_states = jax.random.normal(k1, (TOKENS, HIDDEN), dtype=jnp.float32)
    top_k_index = jax.random.randint(k2, (TOKENS, TOP_K), 0, NUM_EXPERTS, dtype=jnp.int64)
    top_k_weights = jax.random.uniform(k3, (TOKENS, TOP_K), dtype=jnp.float32)
    gate_proj = jax.random.normal(k4, (NUM_EXPERTS, INTER, HIDDEN), dtype=jnp.float32) * 0.02
    up_proj = jax.random.normal(k5, (NUM_EXPERTS, INTER, HIDDEN), dtype=jnp.float32) * 0.02
    down_proj = jax.random.normal(k6, (NUM_EXPERTS, HIDDEN, INTER), dtype=jnp.float32) * 0.02
    return {
        "hidden_states": hidden_states,
        "top_k_index": top_k_index,
        "top_k_weights": top_k_weights,
        "gate_proj": gate_proj,
        "up_proj": up_proj,
        "down_proj": down_proj,
    }


def reference(hidden_states, top_k_index, top_k_weights, gate_proj, up_proj, down_proj):
    # Dense-mask formulation mathematically identical to the eager per-expert loop:
    # each (token, top_k slot) pair contributes expert_out(token) * weight[token, slot],
    # accumulated via index_add_. Summing weights over slots hitting the same expert
    # gives the same result.
    E = gate_proj.shape[0]
    onehot = jax.nn.one_hot(top_k_index, E, dtype=hidden_states.dtype)  # [T, K, E]
    routing = jnp.einsum("tke,tk->te", onehot, top_k_weights)  # [T, E]
    gate = jnp.einsum("td,eid->tei", hidden_states, gate_proj)  # [T, E, I]
    up = jnp.einsum("td,eid->tei", hidden_states, up_proj)      # [T, E, I]
    h = jax.nn.silu(gate) * up                                    # [T, E, I]
    expert_out = jnp.einsum("tei,edi->ted", h, down_proj)        # [T, E, D]
    final_hidden_states = jnp.einsum("ted,te->td", expert_out, routing)
    return final_hidden_states


if False:  # reference __main__ guard neutralized (emitter)
    out = reference(**setup_inputs())
    print(out.shape, out.dtype)

if __name__ == "__main__":
    import jax
    _d = setup_inputs()
    print(jax.jit(kernel)(*tuple(_d.values())))

</pallas_src>

<mosaic_0001>
#map = affine_map<(d0, d1) -> (0)>
module attributes {stable_mosaic.version = 14 : i64} {
  func.func @_routing_body(%arg0: i32, %arg1: i32, %arg2: memref<256xi32, #tpu.memory_space<hbm>>, %arg3: memref<256xf32, #tpu.memory_space<hbm>>, %arg4: memref<2048xf32, #tpu.memory_space<hbm>>, %arg5: memref<256xi32, #tpu.memory_space<vmem>>, %arg6: memref<256xf32, #tpu.memory_space<vmem>>, %arg7: memref<64xf32, #tpu.memory_space<vmem>>) attributes {dimension_semantics = [#tpu.dimension_semantics<core_parallel>, #tpu.dimension_semantics<subcore_parallel>], iteration_bounds = array<i64: 2, 16>, scalar_prefetch = 0 : i64, scratch_operands = 3 : i64, tpu.core_type = #tpu.core_type<sc_vector_subcore>, window_params = [{transform_indices = #map}, {transform_indices = #map}, {transform_indices = #map}]} {
    %mul3A = arith.constant 2 : i32
    %mul3A_0 = arith.muli %arg1, %mul3A : i32
    %add3A = arith.addi %mul3A_0, %arg0 : i32
    "tpu.region"() ({
      %run_scoped3A = tpu.sem_alloc : memref<!tpu.dma_semaphore, #tpu.memory_space<semaphore_mem>>
      tpu.enqueue_dma source(%arg2 : memref<256xi32, #tpu.memory_space<hbm>>) target(%arg5 : memref<256xi32, #tpu.memory_space<vmem>>) target_semaphore(%run_scoped3A : memref<!tpu.dma_semaphore, #tpu.memory_space<semaphore_mem>>)
      tpu.wait_dma2 semaphore(%run_scoped3A : memref<!tpu.dma_semaphore, #tpu.memory_space<semaphore_mem>>) src(%arg2 : memref<256xi32, #tpu.memory_space<hbm>>) dst(%arg5 : memref<256xi32, #tpu.memory_space<vmem>>)
      tpu.yield
    }) : () -> ()
    "tpu.region"() ({
      %run_scoped3A = tpu.sem_alloc : memref<!tpu.dma_semaphore, #tpu.memory_space<semaphore_mem>>
      tpu.enqueue_dma source(%arg3 : memref<256xf32, #tpu.memory_space<hbm>>) target(%arg6 : memref<256xf32, #tpu.memory_space<vmem>>) target_semaphore(%run_scoped3A : memref<!tpu.dma_semaphore, #tpu.memory_space<semaphore_mem>>)
      tpu.wait_dma2 semaphore(%run_scoped3A : memref<!tpu.dma_semaphore, #tpu.memory_space<semaphore_mem>>) src(%arg3 : memref<256xf32, #tpu.memory_space<hbm>>) dst(%arg6 : memref<256xf32, #tpu.memory_space<vmem>>)
      tpu.yield
    }) : () -> ()
    %mul3A_1 = arith.constant 2 : i32
    %mul3A_2 = arith.muli %add3A, %mul3A_1 : i32
    %add3A_3 = arith.constant 0 : i32
    %add3A_4 = arith.addi %mul3A_2, %add3A_3 : i32
    %broadcast_in_dim3A = vector.broadcast %add3A_4 : i32 to vector<16xi32>
    %broadcast_in_dim3A_5 = arith.constant 0.000000e+00 : f32
    %broadcast_in_dim3A_6 = vector.broadcast %broadcast_in_dim3A_5 : f32 to vector<16xf32>
    %get3A = arith.constant 0 : index
    %get3A_7 = tpu.vector_load %arg5[%get3A] {strides = array<i32>} : memref<256xi32, #tpu.memory_space<vmem>>, vector<16xi32>,
    %get3A_8 = vector.shape_cast %get3A_7 : vector<16xi32> to vector<16xi32>
    %get3A_9 = arith.constant 0 : index
    %get3A_10 = tpu.vector_load %arg6[%get3A_9] {strides = array<i32>} : memref<256xf32, #tpu.memory_space<vmem>>, vector<16xf32>,
    %get3A_11 = vector.shape_cast %get3A_10 : vector<16xf32> to vector<16xf32>
    %eq3A = arith.cmpi eq, %get3A_8, %broadcast_in_dim3A : vector<16xi32>
    %jit3A = arith.constant 0.000000e+00 : f32
    %broadcast_in_dim3A_12 = vector.broadcast %jit3A : f32 to vector<16xf32>
    %select_n3A = arith.select %eq3A, %get3A_11, %broadcast_in_dim3A_12 : vector<16xi1>, vector<16xf32>
    %add3A_13 = arith.addf %broadcast_in_dim3A_6, %select_n3A : vector<16xf32>
    %get3A_14 = arith.constant 32 : index
    %get3A_15 = tpu.vector_load %arg5[%get3A_14] {strides = array<i32>} : memref<256xi32, #tpu.memory_space<vmem>>, vector<16xi32>,
    %get3A_16 = vector.shape_cast %get3A_15 : vector<16xi32> to vector<16xi32>
    %get3A_17 = arith.constant 32 : index
    %get3A_18 = tpu.vector_load %arg6[%get3A_17] {strides = array<i32>} : memref<256xf32, #tpu.memory_space<vmem>>, vector<16xf32>,
    %get3A_19 = vector.shape_cast %get3A_18 : vector<16xf32> to vector<16xf32>
    %eq3A_20 = arith.cmpi eq, %get3A_16, %broadcast_in_dim3A : vector<16xi32>
    %jit3A_21 = arith.constant 0.000000e+00 : f32
    %broadcast_in_dim3A_22 = vector.broadcast %jit3A_21 : f32 to vector<16xf32>
    %select_n3A_23 = arith.select %eq3A_20, %get3A_19, %broadcast_in_dim3A_22 : vector<16xi1>, vector<16xf32>
    %add3A_24 = arith.addf %add3A_13, %select_n3A_23 : vector<16xf32>
    %get3A_25 = arith.constant 64 : index
    %get3A_26 = tpu.vector_load %arg5[%get3A_25] {strides = array<i32>} : memref<256xi32, #tpu.memory_space<vmem>>, vector<16xi32>,
    %get3A_27 = vector.shape_cast %get3A_26 : vector<16xi32> to vector<16xi32>
    %get3A_28 = arith.constant 64 : index
    %get3A_29 = tpu.vector_load %arg6[%get3A_28] {strides = array<i32>} : memref<256xf32, #tpu.memory_space<vmem>>, vector<16xf32>,
    %get3A_30 = vector.shape_cast %get3A_29 : vector<16xf32> to vector<16xf32>
    %eq3A_31 = arith.cmpi eq, %get3A_27, %broadcast_in_dim3A : vector<16xi32>
    %jit3A_32 = arith.constant 0.000000e+00 : f32
    %broadcast_in_dim3A_33 = vector.broadcast %jit3A_32 : f32 to vector<16xf32>
    %select_n3A_34 = arith.select %eq3A_31, %get3A_30, %broadcast_in_dim3A_33 : vector<16xi1>, vector<16xf32>
    %add3A_35 = arith.addf %add3A_24, %select_n3A_34 : vector<16xf32>
    %get3A_36 = arith.constant 96 : index
    %get3A_37 = tpu.vector_load %arg5[%get3A_36] {strides = array<i32>} : memref<256xi32, #tpu.memory_space<vmem>>, vector<16xi32>,
    %get3A_38 = vector.shape_cast %get3A_37 : vector<16xi32> to vector<16xi32>
    %get3A_39 = arith.constant 96 : index
    %get3A_40 = tpu.vector_load %arg6[%get3A_39] {strides = array<i32>} : memref<256xf32, #tpu.memory_space<vmem>>, vector<16xf32>,
    %get3A_41 = vector.shape_cast %get3A_40 : vector<16xf32> to vector<16xf32>
    %eq3A_42 = arith.cmpi eq, %get3A_38, %broadcast_in_dim3A : vector<16xi32>
    %jit3A_43 = arith.constant 0.000000e+00 : f32
    %broadcast_in_dim3A_44 = vector.broadcast %jit3A_43 : f32 to vector<16xf32>
    %select_n3A_45 = arith.select %eq3A_42, %get3A_41, %broadcast_in_dim3A_44 : vector<16xi1>, vector<16xf32>
    %add3A_46 = arith.addf %add3A_35, %select_n3A_45 : vector<16xf32>
    %get3A_47 = arith.constant 128 : index
    %get3A_48 = tpu.vector_load %arg5[%get3A_47] {strides = array<i32>} : memref<256xi32, #tpu.memory_space<vmem>>, vector<16xi32>,
    %get3A_49 = vector.shape_cast %get3A_48 : vector<16xi32> to vector<16xi32>
    %get3A_50 = arith.constant 128 : index
    %get3A_51 = tpu.vector_load %arg6[%get3A_50] {strides = array<i32>} : memref<256xf32, #tpu.memory_space<vmem>>, vector<16xf32>,
    %get3A_52 = vector.shape_cast %get3A_51 : vector<16xf32> to vector<16xf32>
    %eq3A_53 = arith.cmpi eq, %get3A_49, %broadcast_in_dim3A : vector<16xi32>
    %jit3A_54 = arith.constant 0.000000e+00 : f32
    %broadcast_in_dim3A_55 = vector.broadcast %jit3A_54 : f32 to vector<16xf32>
    %select_n3A_56 = arith.select %eq3A_53, %get3A_52, %broadcast_in_dim3A_55 : vector<16xi1>, vector<16xf32>
    %add3A_57 = arith.addf %add3A_46, %select_n3A_56 : vector<16xf32>
    %get3A_58 = arith.constant 160 : index
    %get3A_59 = tpu.vector_load %arg5[%get3A_58] {strides = array<i32>} : memref<256xi32, #tpu.memory_space<vmem>>, vector<16xi32>,
    %get3A_60 = vector.shape_cast %get3A_59 : vector<16xi32> to vector<16xi32>
    %get3A_61 = arith.constant 160 : index
    %get3A_62 = tpu.vector_load %arg6[%get3A_61] {strides = array<i32>} : memref<256xf32, #tpu.memory_space<vmem>>, vector<16xf32>,
    %get3A_63 = vector.shape_cast %get3A_62 : vector<16xf32> to vector<16xf32>
    %eq3A_64 = arith.cmpi eq, %get3A_60, %broadcast_in_dim3A : vector<16xi32>
    %jit3A_65 = arith.constant 0.000000e+00 : f32
    %broadcast_in_dim3A_66 = vector.broadcast %jit3A_65 : f32 to vector<16xf32>
    %select_n3A_67 = arith.select %eq3A_64, %get3A_63, %broadcast_in_dim3A_66 : vector<16xi1>, vector<16xf32>
    %add3A_68 = arith.addf %add3A_57, %select_n3A_67 : vector<16xf32>
    %get3A_69 = arith.constant 192 : index
    %get3A_70 = tpu.vector_load %arg5[%get3A_69] {strides = array<i32>} : memref<256xi32, #tpu.memory_space<vmem>>, vector<16xi32>,
    %get3A_71 = vector.shape_cast %get3A_70 : vector<16xi32> to vector<16xi32>
    %get3A_72 = arith.constant 192 : index
    %get3A_73 = tpu.vector_load %arg6[%get3A_72] {strides = array<i32>} : memref<256xf32, #tpu.memory_space<vmem>>, vector<16xf32>,
    %get3A_74 = vector.shape_cast %get3A_73 : vector<16xf32> to vector<16xf32>
    %eq3A_75 = arith.cmpi eq, %get3A_71, %broadcast_in_dim3A : vector<16xi32>
    %jit3A_76 = arith.constant 0.000000e+00 : f32
    %broadcast_in_dim3A_77 = vector.broadcast %jit3A_76 : f32 to vector<16xf32>
    %select_n3A_78 = arith.select %eq3A_75, %get3A_74, %broadcast_in_dim3A_77 : vector<16xi1>, vector<16xf32>
    %add3A_79 = arith.addf %add3A_68, %select_n3A_78 : vector<16xf32>
    %get3A_80 = arith.constant 224 : index
    %get3A_81 = tpu.vector_load %arg5[%get3A_80] {strides = array<i32>} : memref<256xi32, #tpu.memory_space<vmem>>, vector<16xi32>,
    %get3A_82 = vector.shape_cast %get3A_81 : vector<16xi32> to vector<16xi32>
    %get3A_83 = arith.constant 224 : index
    %get3A_84 = tpu.vector_load %arg6[%get3A_83] {strides = array<i32>} : memref<256xf32, #tpu.memory_space<vmem>>, vector<16xf32>,
    %get3A_85 = vector.shape_cast %get3A_84 : vector<16xf32> to vector<16xf32>
    %eq3A_86 = arith.cmpi eq, %get3A_82, %broadcast_in_dim3A : vector<16xi32>
    %jit3A_87 = arith.constant 0.000000e+00 : f32
    %broadcast_in_dim3A_88 = vector.broadcast %jit3A_87 : f32 to vector<16xf32>
    %select_n3A_89 = arith.select %eq3A_86, %get3A_85, %broadcast_in_dim3A_88 : vector<16xi1>, vector<16xf32>
    %add3A_90 = arith.addf %add3A_79, %select_n3A_89 : vector<16xf32>
    %swap3A = arith.constant 0 : index
    %swap3A_91 = tpu.vector_load %arg7[%swap3A] {strides = array<i32>} : memref<64xf32, #tpu.memory_space<vmem>>, vector<16xf32>,
    %swap3A_92 = vector.shape_cast %swap3A_91 : vector<16xf32> to vector<16xf32>
    %swap3A_93 = vector.shape_cast %add3A_90 : vector<16xf32> to vector<16xf32>
    tpu.vector_store %arg7[%swap3A], %swap3A_93 {strides = array<i32>} : memref<64xf32, #tpu.memory_space<vmem>>, vector<16xf32>,
    %broadcast_in_dim3A_94 = arith.constant 0.000000e+00 : f32
    %broadcast_in_dim3A_95 = vector.broadcast %broadcast_in_dim3A_94 : f32 to vector<16xf32>
    %get3A_96 = arith.constant 16 : index
    %get3A_97 = tpu.vector_load %arg5[%get3A_96] {strides = array<i32>} : memref<256xi32, #tpu.memory_space<vmem>>, vector<16xi32>,
    %get3A_98 = vector.shape_cast %get3A_97 : vector<16xi32> to vector<16xi32>
    %get3A_99 = arith.constant 16 : index
    %get3A_100 = tpu.vector_load %arg6[%get3A_99] {strides = array<i32>} : memref<256xf32, #tpu.memory_space<vmem>>, vector<16xf32>,
    %get3A_101 = vector.shape_cast %get3A_100 : vector<16xf32> to vector<16xf32>
    %eq3A_102 = arith.cmpi eq, %get3A_98, %broadcast_in_dim3A : vector<16xi32>
    %jit3A_103 = arith.constant 0.000000e+00 : f32
    %broadcast_in_dim3A_104 = vector.broadcast %jit3A_103 : f32 to vector<16xf32>
    %select_n3A_105 = arith.select %eq3A_102, %get3A_101, %broadcast_in_dim3A_104 : vector<16xi1>, vector<16xf32>
    %add3A_106 = arith.addf %broadcast_in_dim3A_95, %select_n3A_105 : vector<16xf32>
    %get3A_107 = arith.constant 48 : index
    %get3A_108 = tpu.vector_load %arg5[%get3A_107] {strides = array<i32>} : memref<256xi32, #tpu.memory_space<vmem>>, vector<16xi32>,
    %get3A_109 = vector.shape_cast %get3A_108 : vector<16xi32> to vector<16xi32>
    %get3A_110 = arith.constant 48 : index
    %get3A_111 = tpu.vector_load %arg6[%get3A_110] {strides = array<i32>} : memref<256xf32, #tpu.memory_space<vmem>>, vector<16xf32>,
    %get3A_112 = vector.shape_cast %get3A_111 : vector<16xf32> to vector<16xf32>
    %eq3A_113 = arith.cmpi eq, %get3A_109, %broadcast_in_dim3A : vector<16xi32>
    %jit3A_114 = arith.constant 0.000000e+00 : f32
    %broadcast_in_dim3A_115 = vector.broadcast %jit3A_114 : f32 to vector<16xf32>
    %select_n3A_116 = arith.select %eq3A_113, %get3A_112, %broadcast_in_dim3A_115 : vector<16xi1>, vector<16xf32>
    %add3A_117 = arith.addf %add3A_106, %select_n3A_116 : vector<16xf32>
    %get3A_118 = arith.constant 80 : index
    %get3A_119 = tpu.vector_load %arg5[%get3A_118] {strides = array<i32>} : memref<256xi32, #tpu.memory_space<vmem>>, vector<16xi32>,
    %get3A_120 = vector.shape_cast %get3A_119 : vector<16xi32> to vector<16xi32>
    %get3A_121 = arith.constant 80 : index
    %get3A_122 = tpu.vector_load %arg6[%get3A_121] {strides = array<i32>} : memref<256xf32, #tpu.memory_space<vmem>>, vector<16xf32>,
    %get3A_123 = vector.shape_cast %get3A_122 : vector<16xf32> to vector<16xf32>
    %eq3A_124 = arith.cmpi eq, %get3A_120, %broadcast_in_dim3A : vector<16xi32>
    %jit3A_125 = arith.constant 0.000000e+00 : f32
    %broadcast_in_dim3A_126 = vector.broadcast %jit3A_125 : f32 to vector<16xf32>
    %select_n3A_127 = arith.select %eq3A_124, %get3A_123, %broadcast_in_dim3A_126 : vector<16xi1>, vector<16xf32>
    %add3A_128 = arith.addf %add3A_117, %select_n3A_127 : vector<16xf32>
    %get3A_129 = arith.constant 112 : index
    %get3A_130 = tpu.vector_load %arg5[%get3A_129] {strides = array<i32>} : memref<256xi32, #tpu.memory_space<vmem>>, vector<16xi32>,
    %get3A_131 = vector.shape_cast %get3A_130 : vector<16xi32> to vector<16xi32>
    %get3A_132 = arith.constant 112 : index
    %get3A_133 = tpu.vector_load %arg6[%get3A_132] {strides = array<i32>} : memref<256xf32, #tpu.memory_space<vmem>>, vector<16xf32>,
    %get3A_134 = vector.shape_cast %get3A_133 : vector<16xf32> to vector<16xf32>
    %eq3A_135 = arith.cmpi eq, %get3A_131, %broadcast_in_dim3A : vector<16xi32>
    %jit3A_136 = arith.constant 0.000000e+00 : f32
    %broadcast_in_dim3A_137 = vector.broadcast %jit3A_136 : f32 to vector<16xf32>
    %select_n3A_138 = arith.select %eq3A_135, %get3A_134, %broadcast_in_dim3A_137 : vector<16xi1>, vector<16xf32>
    %add3A_139 = arith.addf %add3A_128, %select_n3A_138 : vector<16xf32>
    %get3A_140 = arith.constant 144 : index
    %get3A_141 = tpu.vector_load %arg5[%get3A_140] {strides = array<i32>} : memref<256xi32, #tpu.memory_space<vmem>>, vector<16xi32>,
    %get3A_142 = vector.shape_cast %get3A_141 : vector<16xi32> to vector<16xi32>
    %get3A_143 = arith.constant 144 : index
    %get3A_144 = tpu.vector_load %arg6[%get3A_143] {strides = array<i32>} : memref<256xf32, #tpu.memory_space<vmem>>, vector<16xf32>,
    %get3A_145 = vector.shape_cast %get3A_144 : vector<16xf32> to vector<16xf32>
    %eq3A_146 = arith.cmpi eq, %get3A_142, %broadcast_in_dim3A : vector<16xi32>
    %jit3A_147 = arith.constant 0.000000e+00 : f32
    %broadcast_in_dim3A_148 = vector.broadcast %jit3A_147 : f32 to vector<16xf32>
    %select_n3A_149 = arith.select %eq3A_146, %get3A_145, %broadcast_in_dim3A_148 : vector<16xi1>, vector<16xf32>
    %add3A_150 = arith.addf %add3A_139, %select_n3A_149 : vector<16xf32>
    %get3A_151 = arith.constant 176 : index
    %get3A_152 = tpu.vector_load %arg5[%get3A_151] {strides = array<i32>} : memref<256xi32, #tpu.memory_space<vmem>>, vector<16xi32>,
    %get3A_153 = vector.shape_cast %get3A_152 : vector<16xi32> to vector<16xi32>
    %get3A_154 = arith.constant 176 : index
    %get3A_155 = tpu.vector_load %arg6[%get3A_154] {strides = array<i32>} : memref<256xf32, #tpu.memory_space<vmem>>, vector<16xf32>,
    %get3A_156 = vector.shape_cast %get3A_155 : vector<16xf32> to vector<16xf32>
    %eq3A_157 = arith.cmpi eq, %get3A_153, %broadcast_in_dim3A : vector<16xi32>
    %jit3A_158 = arith.constant 0.000000e+00 : f32
    %broadcast_in_dim3A_159 = vector.broadcast %jit3A_158 : f32 to vector<16xf32>
    %select_n3A_160 = arith.select %eq3A_157, %get3A_156, %broadcast_in_dim3A_159 : vector<16xi1>, vector<16xf32>
    %add3A_161 = arith.addf %add3A_150, %select_n3A_160 : vector<16xf32>
    %get3A_162 = arith.constant 208 : index
    %get3A_163 = tpu.vector_load %arg5[%get3A_162] {strides = array<i32>} : memref<256xi32, #tpu.memory_space<vmem>>, vector<16xi32>,
    %get3A_164 = vector.shape_cast %get3A_163 : vector<16xi32> to vector<16xi32>
    %get3A_165 = arith.constant 208 : index
    %get3A_166 = tpu.vector_load %arg6[%get3A_165] {strides = array<i32>} : memref<256xf32, #tpu.memory_space<vmem>>, vector<16xf32>,
    %get3A_167 = vector.shape_cast %get3A_166 : vector<16xf32> to vector<16xf32>
    %eq3A_168 = arith.cmpi eq, %get3A_164, %broadcast_in_dim3A : vector<16xi32>
    %jit3A_169 = arith.constant 0.000000e+00 : f32
    %broadcast_in_dim3A_170 = vector.broadcast %jit3A_169 : f32 to vector<16xf32>
    %select_n3A_171 = arith.select %eq3A_168, %get3A_167, %broadcast_in_dim3A_170 : vector<16xi1>, vector<16xf32>
    %add3A_172 = arith.addf %add3A_161, %select_n3A_171 : vector<16xf32>
    %get3A_173 = arith.constant 240 : index
    %get3A_174 = tpu.vector_load %arg5[%get3A_173] {strides = array<i32>} : memref<256xi32, #tpu.memory_space<vmem>>, vector<16xi32>,
    %get3A_175 = vector.shape_cast %get3A_174 : vector<16xi32> to vector<16xi32>
    %get3A_176 = arith.constant 240 : index
    %get3A_177 = tpu.vector_load %arg6[%get3A_176] {strides = array<i32>} : memref<256xf32, #tpu.memory_space<vmem>>, vector<16xf32>,
    %get3A_178 = vector.shape_cast %get3A_177 : vector<16xf32> to vector<16xf32>
    %eq3A_179 = arith.cmpi eq, %get3A_175, %broadcast_in_dim3A : vector<16xi32>
    %jit3A_180 = arith.constant 0.000000e+00 : f32
    %broadcast_in_dim3A_181 = vector.broadcast %jit3A_180 : f32 to vector<16xf32>
    %select_n3A_182 = arith.select %eq3A_179, %get3A_178, %broadcast_in_dim3A_181 : vector<16xi1>, vector<16xf32>
    %add3A_183 = arith.addf %add3A_172, %select_n3A_182 : vector<16xf32>
    %swap3A_184 = arith.constant 16 : index
    %swap3A_185 = tpu.vector_load %arg7[%swap3A_184] {strides = array<i32>} : memref<64xf32, #tpu.memory_space<vmem>>, vector<16xf32>,
    %swap3A_186 = vector.shape_cast %swap3A_185 : vector<16xf32> to vector<16xf32>
    %swap3A_187 = vector.shape_cast %add3A_183 : vector<16xf32> to vector<16xf32>
    tpu.vector_store %arg7[%swap3A_184], %swap3A_187 {strides = array<i32>} : memref<64xf32, #tpu.memory_space<vmem>>, vector<16xf32>,
    %mul3A_188 = arith.constant 2 : i32
    %mul3A_189 = arith.muli %add3A, %mul3A_188 : i32
    %add3A_190 = arith.constant 1 : i32
    %add3A_191 = arith.addi %mul3A_189, %add3A_190 : i32
    %broadcast_in_dim3A_192 = vector.broadcast %add3A_191 : i32 to vector<16xi32>
    %broadcast_in_dim3A_193 = arith.constant 0.000000e+00 : f32
    %broadcast_in_dim3A_194 = vector.broadcast %broadcast_in_dim3A_193 : f32 to vector<16xf32>
    %get3A_195 = arith.constant 0 : index
    %get3A_196 = tpu.vector_load %arg5[%get3A_195] {strides = array<i32>} : memref<256xi32, #tpu.memory_space<vmem>>, vector<16xi32>,
    %get3A_197 = vector.shape_cast %get3A_196 : vector<16xi32> to vector<16xi32>
    %get3A_198 = arith.constant 0 : index
    %get3A_199 = tpu.vector_load %arg6[%get3A_198] {strides = array<i32>} : memref<256xf32, #tpu.memory_space<vmem>>, vector<16xf32>,
    %get3A_200 = vector.shape_cast %get3A_199 : vector<16xf32> to vector<16xf32>
    %eq3A_201 = arith.cmpi eq, %get3A_197, %broadcast_in_dim3A_192 : vector<16xi32>
    %jit3A_202 = arith.constant 0.000000e+00 : f32
    %broadcast_in_dim3A_203 = vector.broadcast %jit3A_202 : f32 to vector<16xf32>
    %select_n3A_204 = arith.select %eq3A_201, %get3A_200, %broadcast_in_dim3A_203 : vector<16xi1>, vector<16xf32>
    %add3A_205 = arith.addf %broadcast_in_dim3A_194, %select_n3A_204 : vector<16xf32>
    %get3A_206 = arith.constant 32 : index
    %get3A_207 = tpu.vector_load %arg5[%get3A_206] {strides = array<i32>} : memref<256xi32, #tpu.memory_space<vmem>>, vector<16xi32>,
    %get3A_208 = vector.shape_cast %get3A_207 : vector<16xi32> to vector<16xi32>
    %get3A_209 = arith.constant 32 : index
    %get3A_210 = tpu.vector_load %arg6[%get3A_209] {strides = array<i32>} : memref<256xf32, #tpu.memory_space<vmem>>, vector<16xf32>,
    %get3A_211 = vector.shape_cast %get3A_210 : vector<16xf32> to vector<16xf32>
    %eq3A_212 = arith.cmpi eq, %get3A_208, %broadcast_in_dim3A_192 : vector<16xi32>
    %jit3A_213 = arith.constant 0.000000e+00 : f32
    %broadcast_in_dim3A_214 = vector.broadcast %jit3A_213 : f32 to vector<16xf32>
    %select_n3A_215 = arith.select %eq3A_212, %get3A_211, %broadcast_in_dim3A_214 : vector<16xi1>, vector<16xf32>
    %add3A_216 = arith.addf %add3A_205, %select_n3A_215 : vector<16xf32>
    %get3A_217 = arith.constant 64 : index
    %get3A_218 = tpu.vector_load %arg5[%get3A_217] {strides = array<i32>} : memref<256xi32, #tpu.memory_space<vmem>>, vector<16xi32>,
    %get3A_219 = vector.shape_cast %get3A_218 : vector<16xi32> to vector<16xi32>
    %get3A_220 = arith.constant 64 : index
    %get3A_221 = tpu.vector_load %arg6[%get3A_220] {strides = array<i32>} : memref<256xf32, #tpu.memory_space<vmem>>, vector<16xf32>,
    %get3A_222 = vector.shape_cast %get3A_221 : vector<16xf32> to vector<16xf32>
    %eq3A_223 = arith.cmpi eq, %get3A_219, %broadcast_in_dim3A_192 : vector<16xi32>
    %jit3A_224 = arith.constant 0.000000e+00 : f32
    %broadcast_in_dim3A_225 = vector.broadcast %jit3A_224 : f32 to vector<16xf32>
    %select_n3A_226 = arith.select %eq3A_223, %get3A_222, %broadcast_in_dim3A_225 : vector<16xi1>, vector<16xf32>
    %add3A_227 = arith.addf %add3A_216, %select_n3A_226 : vector<16xf32>
    %get3A_228 = arith.constant 96 : index
    %get3A_229 = tpu.vector_load %arg5[%get3A_228] {strides = array<i32>} : memref<256xi32, #tpu.memory_space<vmem>>, vector<16xi32>,
    %get3A_230 = vector.shape_cast %get3A_229 : vector<16xi32> to vector<16xi32>
    %get3A_231 = arith.constant 96 : index
    %get3A_232 = tpu.vector_load %arg6[%get3A_231] {strides = array<i32>} : memref<256xf32, #tpu.memory_space<vmem>>, vector<16xf32>,
    %get3A_233 = vector.shape_cast %get3A_232 : vector<16xf32> to vector<16xf32>
    %eq3A_234 = arith.cmpi eq, %get3A_230, %broadcast_in_dim3A_192 : vector<16xi32>
    %jit3A_235 = arith.constant 0.000000e+00 : f32
    %broadcast_in_dim3A_236 = vector.broadcast %jit3A_235 : f32 to vector<16xf32>
    %select_n3A_237 = arith.select %eq3A_234, %get3A_233, %broadcast_in_dim3A_236 : vector<16xi1>, vector<16xf32>
    %add3A_238 = arith.addf %add3A_227, %select_n3A_237 : vector<16xf32>
    %get3A_239 = arith.constant 128 : index
    %get3A_240 = tpu.vector_load %arg5[%get3A_239] {strides = array<i32>} : memref<256xi32, #tpu.memory_space<vmem>>, vector<16xi32>,
    %get3A_241 = vector.shape_cast %get3A_240 : vector<16xi32> to vector<16xi32>
    %get3A_242 = arith.constant 128 : index
    %get3A_243 = tpu.vector_load %arg6[%get3A_242] {strides = array<i32>} : memref<256xf32, #tpu.memory_space<vmem>>, vector<16xf32>,
    %get3A_244 = vector.shape_cast %get3A_243 : vector<16xf32> to vector<16xf32>
    %eq3A_245 = arith.cmpi eq, %get3A_241, %broadcast_in_dim3A_192 : vector<16xi32>
    %jit3A_246 = arith.constant 0.000000e+00 : f32
    %broadcast_in_dim3A_247 = vector.broadcast %jit3A_246 : f32 to vector<16xf32>
    %select_n3A_248 = arith.select %eq3A_245, %get3A_244, %broadcast_in_dim3A_247 : vector<16xi1>, vector<16xf32>
    %add3A_249 = arith.addf %add3A_238, %select_n3A_248 : vector<16xf32>
    %get3A_250 = arith.constant 160 : index
    %get3A_251 = tpu.vector_load %arg5[%get3A_250] {strides = array<i32>} : memref<256xi32, #tpu.memory_space<vmem>>, vector<16xi32>,
    %get3A_252 = vector.shape_cast %get3A_251 : vector<16xi32> to vector<16xi32>
    %get3A_253 = arith.constant 160 : index
    %get3A_254 = tpu.vector_load %arg6[%get3A_253] {strides = array<i32>} : memref<256xf32, #tpu.memory_space<vmem>>, vector<16xf32>,
    %get3A_255 = vector.shape_cast %get3A_254 : vector<16xf32> to vector<16xf32>
    %eq3A_256 = arith.cmpi eq, %get3A_252, %broadcast_in_dim3A_192 : vector<16xi32>
    %jit3A_257 = arith.constant 0.000000e+00 : f32
    %broadcast_in_dim3A_258 = vector.broadcast %jit3A_257 : f32 to vector<16xf32>
    %select_n3A_259 = arith.select %eq3A_256, %get3A_255, %broadcast_in_dim3A_258 : vector<16xi1>, vector<16xf32>
    %add3A_260 = arith.addf %add3A_249, %select_n3A_259 : vector<16xf32>
    %get3A_261 = arith.constant 192 : index
    %get3A_262 = tpu.vector_load %arg5[%get3A_261] {strides = array<i32>} : memref<256xi32, #tpu.memory_space<vmem>>, vector<16xi32>,
    %get3A_263 = vector.shape_cast %get3A_262 : vector<16xi32> to vector<16xi32>
    %get3A_264 = arith.constant 192 : index
    %get3A_265 = tpu.vector_load %arg6[%get3A_264] {strides = array<i32>} : memref<256xf32, #tpu.memory_space<vmem>>, vector<16xf32>,
    %get3A_266 = vector.shape_cast %get3A_265 : vector<16xf32> to vector<16xf32>
    %eq3A_267 = arith.cmpi eq, %get3A_263, %broadcast_in_dim3A_192 : vector<16xi32>
    %jit3A_268 = arith.constant 0.000000e+00 : f32
    %broadcast_in_dim3A_269 = vector.broadcast %jit3A_268 : f32 to vector<16xf32>
    %select_n3A_270 = arith.select %eq3A_267, %get3A_266, %broadcast_in_dim3A_269 : vector<16xi1>, vector<16xf32>
    %add3A_271 = arith.addf %add3A_260, %select_n3A_270 : vector<16xf32>
    %get3A_272 = arith.constant 224 : index
    %get3A_273 = tpu.vector_load %arg5[%get3A_272] {strides = array<i32>} : memref<256xi32, #tpu.memory_space<vmem>>, vector<16xi32>,
    %get3A_274 = vector.shape_cast %get3A_273 : vector<16xi32> to vector<16xi32>
    %get3A_275 = arith.constant 224 : index
    %get3A_276 = tpu.vector_load %arg6[%get3A_275] {strides = array<i32>} : memref<256xf32, #tpu.memory_space<vmem>>, vector<16xf32>,
    %get3A_277 = vector.shape_cast %get3A_276 : vector<16xf32> to vector<16xf32>
    %eq3A_278 = arith.cmpi eq, %get3A_274, %broadcast_in_dim3A_192 : vector<16xi32>
    %jit3A_279 = arith.constant 0.000000e+00 : f32
    %broadcast_in_dim3A_280 = vector.broadcast %jit3A_279 : f32 to vector<16xf32>
    %select_n3A_281 = arith.select %eq3A_278, %get3A_277, %broadcast_in_dim3A_280 : vector<16xi1>, vector<16xf32>
    %add3A_282 = arith.addf %add3A_271, %select_n3A_281 : vector<16xf32>
    %swap3A_283 = arith.constant 32 : index
    %swap3A_284 = tpu.vector_load %arg7[%swap3A_283] {strides = array<i32>} : memref<64xf32, #tpu.memory_space<vmem>>, vector<16xf32>,
    %swap3A_285 = vector.shape_cast %swap3A_284 : vector<16xf32> to vector<16xf32>
    %swap3A_286 = vector.shape_cast %add3A_282 : vector<16xf32> to vector<16xf32>
    tpu.vector_store %arg7[%swap3A_283], %swap3A_286 {strides = array<i32>} : memref<64xf32, #tpu.memory_space<vmem>>, vector<16xf32>,
    %broadcast_in_dim3A_287 = arith.constant 0.000000e+00 : f32
    %broadcast_in_dim3A_288 = vector.broadcast %broadcast_in_dim3A_287 : f32 to vector<16xf32>
    %get3A_289 = arith.constant 16 : index
    %get3A_290 = tpu.vector_load %arg5[%get3A_289] {strides = array<i32>} : memref<256xi32, #tpu.memory_space<vmem>>, vector<16xi32>,
    %get3A_291 = vector.shape_cast %get3A_290 : vector<16xi32> to vector<16xi32>
    %get3A_292 = arith.constant 16 : index
    %get3A_293 = tpu.vector_load %arg6[%get3A_292] {strides = array<i32>} : memref<256xf32, #tpu.memory_space<vmem>>, vector<16xf32>,
    %get3A_294 = vector.shape_cast %get3A_293 : vector<16xf32> to vector<16xf32>
    %eq3A_295 = arith.cmpi eq, %get3A_291, %broadcast_in_dim3A_192 : vector<16xi32>
    %jit3A_296 = arith.constant 0.000000e+00 : f32
    %broadcast_in_dim3A_297 = vector.broadcast %jit3A_296 : f32 to vector<16xf32>
    %select_n3A_298 = arith.select %eq3A_295, %get3A_294, %broadcast_in_dim3A_297 : vector<16xi1>, vector<16xf32>
    %add3A_299 = arith.addf %broadcast_in_dim3A_288, %select_n3A_298 : vector<16xf32>
    %get3A_300 = arith.constant 48 : index
    %get3A_301 = tpu.vector_load %arg5[%get3A_300] {strides = array<i32>} : memref<256xi32, #tpu.memory_space<vmem>>, vector<16xi32>,
    %get3A_302 = vector.shape_cast %get3A_301 : vector<16xi32> to vector<16xi32>
    %get3A_303 = arith.constant 48 : index
    %get3A_304 = tpu.vector_load %arg6[%get3A_303] {strides = array<i32>} : memref<256xf32, #tpu.memory_space<vmem>>, vector<16xf32>,
    %get3A_305 = vector.shape_cast %get3A_304 : vector<16xf32> to vector<16xf32>
    %eq3A_306 = arith.cmpi eq, %get3A_302, %broadcast_in_dim3A_192 : vector<16xi32>
    %jit3A_307 = arith.constant 0.000000e+00 : f32
    %broadcast_in_dim3A_308 = vector.broadcast %jit3A_307 : f32 to vector<16xf32>
    %select_n3A_309 = arith.select %eq3A_306, %get3A_305, %broadcast_in_dim3A_308 : vector<16xi1>, vector<16xf32>
    %add3A_310 = arith.addf %add3A_299, %select_n3A_309 : vector<16xf32>
    %get3A_311 = arith.constant 80 : index
    %get3A_312 = tpu.vector_load %arg5[%get3A_311] {strides = array<i32>} : memref<256xi32, #tpu.memory_space<vmem>>, vector<16xi32>,
    %get3A_313 = vector.shape_cast %get3A_312 : vector<16xi32> to vector<16xi32>
    %get3A_314 = arith.constant 80 : index
    %get3A_315 = tpu.vector_load %arg6[%get3A_314] {strides = array<i32>} : memref<256xf32, #tpu.memory_space<vmem>>, vector<16xf32>,
    %get3A_316 = vector.shape_cast %get3A_315 : vector<16xf32> to vector<16xf32>
    %eq3A_317 = arith.cmpi eq, %get3A_313, %broadcast_in_dim3A_192 : vector<16xi32>
    %jit3A_318 = arith.constant 0.000000e+00 : f32
    %broadcast_in_dim3A_319 = vector.broadcast %jit3A_318 : f32 to vector<16xf32>
    %select_n3A_320 = arith.select %eq3A_317, %get3A_316, %broadcast_in_dim3A_319 : vector<16xi1>, vector<16xf32>
    %add3A_321 = arith.addf %add3A_310, %select_n3A_320 : vector<16xf32>
    %get3A_322 = arith.constant 112 : index
    %get3A_323 = tpu.vector_load %arg5[%get3A_322] {strides = array<i32>} : memref<256xi32, #tpu.memory_space<vmem>>, vector<16xi32>,
    %get3A_324 = vector.shape_cast %get3A_323 : vector<16xi32> to vector<16xi32>
    %get3A_325 = arith.constant 112 : index
    %get3A_326 = tpu.vector_load %arg6[%get3A_325] {strides = array<i32>} : memref<256xf32, #tpu.memory_space<vmem>>, vector<16xf32>,
    %get3A_327 = vector.shape_cast %get3A_326 : vector<16xf32> to vector<16xf32>
    %eq3A_328 = arith.cmpi eq, %get3A_324, %broadcast_in_dim3A_192 : vector<16xi32>
    %jit3A_329 = arith.constant 0.000000e+00 : f32
    %broadcast_in_dim3A_330 = vector.broadcast %jit3A_329 : f32 to vector<16xf32>
    %select_n3A_331 = arith.select %eq3A_328, %get3A_327, %broadcast_in_dim3A_330 : vector<16xi1>, vector<16xf32>
    %add3A_332 = arith.addf %add3A_321, %select_n3A_331 : vector<16xf32>
    %get3A_333 = arith.constant 144 : index
    %get3A_334 = tpu.vector_load %arg5[%get3A_333] {strides = array<i32>} : memref<256xi32, #tpu.memory_space<vmem>>, vector<16xi32>,
    %get3A_335 = vector.shape_cast %get3A_334 : vector<16xi32> to vector<16xi32>
    %get3A_336 = arith.constant 144 : index
    %get3A_337 = tpu.vector_load %arg6[%get3A_336] {strides = array<i32>} : memref<256xf32, #tpu.memory_space<vmem>>, vector<16xf32>,
    %get3A_338 = vector.shape_cast %get3A_337 : vector<16xf32> to vector<16xf32>
    %eq3A_339 = arith.cmpi eq, %get3A_335, %broadcast_in_dim3A_192 : vector<16xi32>
    %jit3A_340 = arith.constant 0.000000e+00 : f32
    %broadcast_in_dim3A_341 = vector.broadcast %jit3A_340 : f32 to vector<16xf32>
    %select_n3A_342 = arith.select %eq3A_339, %get3A_338, %broadcast_in_dim3A_341 : vector<16xi1>, vector<16xf32>
    %add3A_343 = arith.addf %add3A_332, %select_n3A_342 : vector<16xf32>
    %get3A_344 = arith.constant 176 : index
    %get3A_345 = tpu.vector_load %arg5[%get3A_344] {strides = array<i32>} : memref<256xi32, #tpu.memory_space<vmem>>, vector<16xi32>,
    %get3A_346 = vector.shape_cast %get3A_345 : vector<16xi32> to vector<16xi32>
    %get3A_347 = arith.constant 176 : index
    %get3A_348 = tpu.vector_load %arg6[%get3A_347] {strides = array<i32>} : memref<256xf32, #tpu.memory_space<vmem>>, vector<16xf32>,
    %get3A_349 = vector.shape_cast %get3A_348 : vector<16xf32> to vector<16xf32>
    %eq3A_350 = arith.cmpi eq, %get3A_346, %broadcast_in_dim3A_192 : vector<16xi32>
    %jit3A_351 = arith.constant 0.000000e+00 : f32
    %broadcast_in_dim3A_352 = vector.broadcast %jit3A_351 : f32 to vector<16xf32>
    %select_n3A_353 = arith.select %eq3A_350, %get3A_349, %broadcast_in_dim3A_352 : vector<16xi1>, vector<16xf32>
    %add3A_354 = arith.addf %add3A_343, %select_n3A_353 : vector<16xf32>
    %get3A_355 = arith.constant 208 : index
    %get3A_356 = tpu.vector_load %arg5[%get3A_355] {strides = array<i32>} : memref<256xi32, #tpu.memory_space<vmem>>, vector<16xi32>,
    %get3A_357 = vector.shape_cast %get3A_356 : vector<16xi32> to vector<16xi32>
    %get3A_358 = arith.constant 208 : index
    %get3A_359 = tpu.vector_load %arg6[%get3A_358] {strides = array<i32>} : memref<256xf32, #tpu.memory_space<vmem>>, vector<16xf32>,
    %get3A_360 = vector.shape_cast %get3A_359 : vector<16xf32> to vector<16xf32>
    %eq3A_361 = arith.cmpi eq, %get3A_357, %broadcast_in_dim3A_192 : vector<16xi32>
    %jit3A_362 = arith.constant 0.000000e+00 : f32
    %broadcast_in_dim3A_363 = vector.broadcast %jit3A_362 : f32 to vector<16xf32>
    %select_n3A_364 = arith.select %eq3A_361, %get3A_360, %broadcast_in_dim3A_363 : vector<16xi1>, vector<16xf32>
    %add3A_365 = arith.addf %add3A_354, %select_n3A_364 : vector<16xf32>
    %get3A_366 = arith.constant 240 : index
    %get3A_367 = tpu.vector_load %arg5[%get3A_366] {strides = array<i32>} : memref<256xi32, #tpu.memory_space<vmem>>, vector<16xi32>,
    %get3A_368 = vector.shape_cast %get3A_367 : vector<16xi32> to vector<16xi32>
    %get3A_369 = arith.constant 240 : index
    %get3A_370 = tpu.vector_load %arg6[%get3A_369] {strides = array<i32>} : memref<256xf32, #tpu.memory_space<vmem>>, vector<16xf32>,
    %get3A_371 = vector.shape_cast %get3A_370 : vector<16xf32> to vector<16xf32>
    %eq3A_372 = arith.cmpi eq, %get3A_368, %broadcast_in_dim3A_192 : vector<16xi32>
    %jit3A_373 = arith.constant 0.000000e+00 : f32
    %broadcast_in_dim3A_374 = vector.broadcast %jit3A_373 : f32 to vector<16xf32>
    %select_n3A_375 = arith.select %eq3A_372, %get3A_371, %broadcast_in_dim3A_374 : vector<16xi1>, vector<16xf32>
    %add3A_376 = arith.addf %add3A_365, %select_n3A_375 : vector<16xf32>
    %swap3A_377 = arith.constant 48 : index
    %swap3A_378 = tpu.vector_load %arg7[%swap3A_377] {strides = array<i32>} : memref<64xf32, #tpu.memory_space<vmem>>, vector<16xf32>,
    %swap3A_379 = vector.shape_cast %swap3A_378 : vector<16xf32> to vector<16xf32>
    %swap3A_380 = vector.shape_cast %add3A_376 : vector<16xf32> to vector<16xf32>
    tpu.vector_store %arg7[%swap3A_377], %swap3A_380 {strides = array<i32>} : memref<64xf32, #tpu.memory_space<vmem>>, vector<16xf32>,
    %mul3A_381 = arith.constant 64 : i32
    %mul3A_382 = arith.muli %add3A, %mul3A_381 : i32
    "tpu.region"() ({
      %run_scoped3A = tpu.sem_alloc : memref<!tpu.dma_semaphore, #tpu.memory_space<semaphore_mem>>
      %dma_start3A = tpu.memref_slice %arg4[%mul3A_382] : memref<2048xf32, #tpu.memory_space<hbm>> -> memref<64xf32, #tpu.memory_space<hbm>>
      %dma_start3A_383 = tpu.memref_slice %arg4[%mul3A_382] : memref<2048xf32, #tpu.memory_space<hbm>> -> memref<64xf32, #tpu.memory_space<hbm>>
      tpu.enqueue_dma source(%arg7 : memref<64xf32, #tpu.memory_space<vmem>>) target(%dma_start3A_383 : memref<64xf32, #tpu.memory_space<hbm>>) target_semaphore(%run_scoped3A : memref<!tpu.dma_semaphore, #tpu.memory_space<semaphore_mem>>)
      %dma_wait3A = tpu.memref_slice %arg4[%mul3A_382] : memref<2048xf32, #tpu.memory_space<hbm>> -> memref<64xf32, #tpu.memory_space<hbm>>
      %dma_wait3A_384 = tpu.memref_slice %arg4[%mul3A_382] : memref<2048xf32, #tpu.memory_space<hbm>> -> memref<64xf32, #tpu.memory_space<hbm>>
      tpu.wait_dma2 semaphore(%run_scoped3A : memref<!tpu.dma_semaphore, #tpu.memory_space<semaphore_mem>>) src(%arg7 : memref<64xf32, #tpu.memory_space<vmem>>) dst(%dma_wait3A_384 : memref<64xf32, #tpu.memory_space<hbm>>)
      tpu.yield
    }) : () -> ()
    return
  }
}

module attributes {stable_mosaic.version = 14 : i64} {
  func.func @_moe_body(%arg0: i32, %arg1: memref<1x1x32xf32, #tpu.memory_space<vmem>>, %arg2: memref<32x1024xf32, #tpu.memory_space<vmem>>, %arg3: memref<1x768x1024xf32, #tpu.memory_space<vmem>>, %arg4: memref<1x768x1024xf32, #tpu.memory_space<vmem>>, %arg5: memref<1x1024x768xf32, #tpu.memory_space<vmem>>, %arg6: memref<32x1024xf32, #tpu.memory_space<vmem>>) attributes {dimension_semantics = [#tpu.dimension_semantics<arbitrary>], iteration_bounds = array<i64: 64>, scalar_prefetch = 0 : i64, scratch_operands = 0 : i64, tpu.core_type = #tpu.core_type<tc>, window_params = [{transform_indices = @transform_0, window_bounds = array<i64: 1, 1, 32>}, {pipeline_mode = #tpu.pipeline_mode<synchronous>, transform_indices = @transform_1, window_bounds = array<i64: 32, 1024>}, {transform_indices = @transform_2, window_bounds = array<i64: 1, 768, 1024>}, {transform_indices = @transform_3, window_bounds = array<i64: 1, 768, 1024>}, {transform_indices = @transform_4, window_bounds = array<i64: 1, 1024, 768>}, {pipeline_mode = #tpu.pipeline_mode<synchronous>, transform_indices = @transform_5, window_bounds = array<i64: 32, 1024>}]} {
    %eq3A = arith.constant 0 : i32
    %eq3A_0 = arith.cmpi eq, %arg0, %eq3A : i32
    %convert_element_type3A = arith.extui %eq3A_0 : i1 to i32
    %cond3A = arith.constant 0 : i32
    %cond3A_1 = arith.cmpi ne, %convert_element_type3A, %cond3A : i32
    scf.if %cond3A_1 {
      %broadcast_in_dim3A_49 = arith.constant 0.000000e+00 : f32
      %broadcast_in_dim3A_50 = vector.broadcast %broadcast_in_dim3A_49 : f32 to vector<32x1024xf32>
      %swap3A_51 = arith.constant 0 : index
      %swap3A_52 = arith.constant 0 : index
      %swap3A_53 = vector.load %arg6[%swap3A_51, %swap3A_52] : memref<32x1024xf32, #tpu.memory_space<vmem>>, vector<32x1024xf32>
      tpu.vector_store %arg6[%swap3A_51, %swap3A_52], %broadcast_in_dim3A_50 {strides = array<i32>} : memref<32x1024xf32, #tpu.memory_space<vmem>>, vector<32x1024xf32>,
    } else {
    }
    %get3A = arith.constant 0 : index
    %get3A_2 = arith.constant 0 : index
    %get3A_3 = vector.load %arg2[%get3A, %get3A_2] : memref<32x1024xf32, #tpu.memory_space<vmem>>, vector<32x1024xf32>
    %convert_element_type3A_4 = arith.truncf %get3A_3 : vector<32x1024xf32> to vector<32x1024xbf16>
    %broadcast_in_dim3A = arith.constant 0.000000e+00 : f32
    %broadcast_in_dim3A_5 = vector.broadcast %broadcast_in_dim3A : f32 to vector<32x1024xf32>
    %get3A_6 = arith.constant 0 : index
    %get3A_7 = arith.constant 0 : index
    %get3A_8 = arith.constant 0 : index
    %get3A_9 = vector.load %arg3[%get3A_6, %get3A_7, %get3A_8] : memref<1x768x1024xf32, #tpu.memory_space<vmem>>, vector<1x768x1024xf32>
    %get3A_10 = vector.shape_cast %get3A_9 : vector<1x768x1024xf32> to vector<768x1024xf32>
    %convert_element_type3A_11 = arith.truncf %get3A_10 : vector<768x1024xf32> to vector<768x1024xbf16>
    %get3A_12 = arith.constant 0 : index
    %get3A_13 = arith.constant 0 : index
    %get3A_14 = arith.constant 0 : index
    %get3A_15 = vector.load %arg4[%get3A_12, %get3A_13, %get3A_14] : memref<1x768x1024xf32, #tpu.memory_space<vmem>>, vector<1x768x1024xf32>
    %get3A_16 = vector.shape_cast %get3A_15 : vector<1x768x1024xf32> to vector<768x1024xf32>
    %convert_element_type3A_17 = arith.truncf %get3A_16 : vector<768x1024xf32> to vector<768x1024xbf16>
    %get3A_18 = arith.constant 0 : index
    %get3A_19 = arith.constant 0 : index
    %get3A_20 = arith.constant 0 : index
    %get3A_21 = vector.load %arg5[%get3A_18, %get3A_19, %get3A_20] : memref<1x1024x768xf32, #tpu.memory_space<vmem>>, vector<1x1024x768xf32>
    %get3A_22 = vector.shape_cast %get3A_21 : vector<1x1024x768xf32> to vector<1024x768xf32>
    %convert_element_type3A_23 = arith.truncf %get3A_22 : vector<1024x768xf32> to vector<1024x768xbf16>
    %dot_general3A = arith.constant dense<0.000000e+00> : vector<32x768xf32>
    %dot_general3A_24 = tpu.matmul %convert_element_type3A_4, %convert_element_type3A_11, %dot_general3A {dimension_numbers = #tpu.dot_dimension_numbers<[1], [1], [0], [0], [0, 0, 1, 0], [], []>, transpose_lhs_hint = false} : vector<32x1024xbf16>, vector<768x1024xbf16>, vector<32x768xf32> -> vector<32x768xf32>
    %dot_general3A_25 = arith.constant dense<0.000000e+00> : vector<32x768xf32>
    %dot_general3A_26 = tpu.matmul %convert_element_type3A_4, %convert_element_type3A_17, %dot_general3A_25 {dimension_numbers = #tpu.dot_dimension_numbers<[1], [1], [0], [0], [0, 0, 1, 0], [], []>, transpose_lhs_hint = false} : vector<32x1024xbf16>, vector<768x1024xbf16>, vector<32x768xf32> -> vector<32x768xf32>
    %logistic3A = arith.negf %dot_general3A_24 : vector<32x768xf32>
    %logistic3A_27 = math.exp %logistic3A : vector<32x768xf32>
    %logistic3A_28 = arith.constant 1.000000e+00 : f32
    %logistic3A_29 = vector.broadcast %logistic3A_28 : f32 to vector<32x768xf32>
    %logistic3A_30 = arith.addf %logistic3A_29, %logistic3A_27 : vector<32x768xf32>
    %logistic3A_31 = arith.divf %logistic3A_29, %logistic3A_30 : vector<32x768xf32>
    %mul3A = arith.mulf %dot_general3A_24, %logistic3A_31 : vector<32x768xf32>
    %mul3A_32 = arith.mulf %mul3A, %dot_general3A_26 : vector<32x768xf32>
    %convert_element_type3A_33 = arith.truncf %mul3A_32 : vector<32x768xf32> to vector<32x768xbf16>
    %dot_general3A_34 = arith.constant dense<0.000000e+00> : vector<32x1024xf32>
    %dot_general3A_35 = tpu.matmul %convert_element_type3A_33, %convert_element_type3A_23, %dot_general3A_34 {dimension_numbers = #tpu.dot_dimension_numbers<[1], [1], [0], [0], [0, 0, 1, 0], [], []>, transpose_lhs_hint = false} : vector<32x768xbf16>, vector<1024x768xbf16>, vector<32x1024xf32> -> vector<32x1024xf32>
    %get3A_36 = arith.constant 0 : index
    %get3A_37 = arith.constant 0 : index
    %get3A_38 = arith.constant 0 : index
    %get3A_39 = vector.load %arg1[%get3A_36, %get3A_37, %get3A_38] : memref<1x1x32xf32, #tpu.memory_space<vmem>>, vector<1x1x32xf32>
    %get3A_40 = vector.shape_cast %get3A_39 : vector<1x1x32xf32> to vector<32xf32>
    %reshape3A = vector.shape_cast %get3A_40 : vector<32xf32> to vector<32x1xf32>
    %mul3A_41 = vector.broadcast %reshape3A : vector<32x1xf32> to vector<32x1024xf32>
    %mul3A_42 = arith.mulf %dot_general3A_35, %mul3A_41 : vector<32x1024xf32>
    %add3A = arith.addf %broadcast_in_dim3A_5, %mul3A_42 : vector<32x1024xf32>
    %get3A_43 = arith.constant 0 : index
    %get3A_44 = arith.constant 0 : index
    %get3A_45 = vector.load %arg6[%get3A_43, %get3A_44] : memref<32x1024xf32, #tpu.memory_space<vmem>>, vector<32x1024xf32>
    %add3A_46 = arith.addf %get3A_45, %add3A : vector<32x1024xf32>
    %swap3A = arith.constant 0 : index
    %swap3A_47 = arith.constant 0 : index
    %swap3A_48 = vector.load %arg6[%swap3A, %swap3A_47] : memref<32x1024xf32, #tpu.memory_space<vmem>>, vector<32x1024xf32>
    tpu.vector_store %arg6[%swap3A, %swap3A_47], %add3A_46 {strides = array<i32>} : memref<32x1024xf32, #tpu.memory_space<vmem>>, vector<32x1024xf32>,
    return
  }
  func.func @transform_0(%arg0: i32) -> (i32, i32, i32) {
    %c0_i32 = arith.constant 0 : i32
    %c0_i32_0 = arith.constant 0 : i32
    %c0_i32_1 = arith.constant 0 : i32
    return %arg0, %c0_i32, %c0_i32_0 : i32, i32, i32
  }
  func.func @transform_1(%arg0: i32) -> (i32, i32) {
    %c0_i32 = arith.constant 0 : i32
    %c0_i32_0 = arith.constant 0 : i32
    %c0_i32_1 = arith.constant 0 : i32
    return %c0_i32, %c0_i32_0 : i32, i32
  }
  func.func @transform_2(%arg0: i32) -> (i32, i32, i32) {
    %c0_i32 = arith.constant 0 : i32
    %c0_i32_0 = arith.constant 0 : i32
    %c0_i32_1 = arith.constant 0 : i32
    return %arg0, %c0_i32, %c0_i32_0 : i32, i32, i32
  }
  func.func @transform_3(%arg0: i32) -> (i32, i32, i32) {
    %c0_i32 = arith.constant 0 : i32
    %c0_i32_0 = arith.constant 0 : i32
    %c0_i32_1 = arith.constant 0 : i32
    return %arg0, %c0_i32, %c0_i32_0 : i32, i32, i32
  }
  func.func @transform_4(%arg0: i32) -> (i32, i32, i32) {
    %c0_i32 = arith.constant 0 : i32
    %c0_i32_0 = arith.constant 0 : i32
    %c0_i32_1 = arith.constant 0 : i32
    return %arg0, %c0_i32, %c0_i32_0 : i32, i32, i32
  }
  func.func @transform_5(%arg0: i32) -> (i32, i32) {
    %c0_i32 = arith.constant 0 : i32
    %c0_i32_0 = arith.constant 0 : i32
    %c0_i32_1 = arith.constant 0 : i32
    return %c0_i32, %c0_i32_0 : i32, i32
  }
}

</mosaic_0001>

<sc_bundles>
// kernel: kernel.4.cloned.1.call-start
scs
__scs_entry_jumppad:
0x0: {  	(pc) =	sbr.rel $0x88, $3  }
0x1: {  	(tag) =	ssettag $0x0;
	lr =	simm.s32 $0x1  }
0x2: {  	[smem:$0x3F9B] =	sst lr;
	_ =	strace $0xD0000000  }
0x3: {  	_ = 	snop  }
0x4: {  	_ = 	snop  }
0x5: {  	_ = 	snop  }
0x6: {  	_ = 	snop  }
0x7: {  	_ = 	snop  }
__scs_overlays_trampoline_lowered:
0x8: {  	[smem:$0x3FAA] =	sst s0  }
0x9: {  	[smem:$0x3FAB] =	sst s1  }
0xa: {  	[smem:$0x3FAC] =	sst s2  }
0xb: {  	[smem:$0x3FAD] =	sst s3  }
0xc: {  	[smem:$0x3FAE] =	sst s4  }
0xd: {  	[smem:$0x3FAF] =	sst s5  }
0xe: {  	[smem:$0x3FB0] =	sst s6  }
0xf: {  	[smem:$0x3FB1] =	sst s7  }
0x10: {  	[smem:$0x3FB2] =	sst s8  }
0x11: {  	[smem:$0x3FB3] =	sst s9;
	s0 =	simm.s32 @!p0 $0x0  }
0x12: {  	s1 =	sld [smem:$0x3F99];
	s0 =	simm.s32 @p0 $0x1  }
0x13: {  	[smem:$0x3FB4] =	sst s0;
	s0 =	simm.s32 @!p1 $0x0  }
0x14: {  	s2 =	sld [smem:$0x3F98];
	s0 =	simm.s32 @p1 $0x1  }
0x15: {  	[smem:$0x3FB5] =	sst s0;
	s0 =	simm.s32 @!p2 $0x0  }
0x16: {  	s3 =	sld [smem:$0x3FDB];
	s0 =	simm.s32 @p2 $0x1  }
0x17: {  	s4 =	simm.s32 $0x1BF5;
	[smem:$0x3FB7] =	sst s0  }
0x18: {  	s0 =	sld [smem:$0x3F9A];
	_ =	swait.ge [sflag:s4], $0x0  }
0x19: {  	s7 =	sld [smem:$0x3F9B]  }
0x1a: {  	s8 =	sadd.s32 $0xFFFFE003, lr  }
0x1b: {  	s9 =	sadd.s32 $0xFFFFFEF7, lr;
	s5 =	simm.s32 $0xFFFFFFFF;
	p2 =	slt.u32 s8, $0xFFFFF086  }
0x1c: {  	p1 =	slt.u32 s9, $0xF7A;
	s5 =	simm.s32 @!p2 $0x0  }
0x1d: {  	s5 =	simm.s32 @p1 $0x1;
	p0 =	seq.s32 s7, s2  }
0x1e: {  	s7 =	smul.u32 @!p0 $0xF7A, s2;
	p2 =	seq.s32 @!p0 s5, $0x0  }
0x1f: {  	s9 =	smul.u32 $0xF7A, s1;
	s8 =	simm.s32 @!p0 $0x1BF5;
	p2 =	por !p2, p0  }
0x20: {  	[sflag:s8] =	ssyncset.s32 @!p0 $0xFFFFF086;
	s6 =	sadd.s32 @!p0 s3, s7;
	s7 =	simm.s32 @!p0 $0x108  }
0x21: {  	s3 =	sadd.s32 s3, s9;
	s6 =	sadd.s32 @!p0 $0x88, s6;
	s7 =	simm.s32 @p2 $0x1082  }
0x22: {  	[simem:s7], [sflag:s8] =	dma.local @!p0 [hbm:s6], $0xF7A  }
0x23: {  	s9 =	sor.u32 $0xD0000000, s2;
	s6 =	simm.s32 $0x108;
	_ =	swait.ge @!p0 [sflag:s8], $0x0  }
0x24: {  	s3 =	sadd.s32 $0x88, s3;
	s6 =	simm.s32 @!p1 $0x1082;
	[sflag:s4] =	ssyncset.s32 $0xFFFFF086  }
0x25: {  	[simem:s6], [sflag:s4] =	dma.local [hbm:s3], $0xF7A  }
0x26: {  	[smem:$0x3F9B] =	sst s1;
	(tag) =	ssettag s2;
	_ =	strace s9  }
0x27: {  	s1 =	sld [smem:$0x3FAB]  }
0x28: {  	s2 =	sld [smem:$0x3FAC]  }
0x29: {  	s4 =	sld [smem:$0x3FAE]  }
0x2a: {  	p0 =	seq.s32 s5, $0x0;
	s5 =	sld [smem:$0x3FAF]  }
0x2b: {  	s6 =	sld [smem:$0x3FB0]  }
0x2c: {  	s7 =	sld [smem:$0x3FB1]  }
0x2d: {  	s3 =	simm.s32 $0x108;
	s8 =	sld [smem:$0x3FB2]  }
0x2e: {  	s3 =	simm.s32 @!p0 $0x1082;
	s9 =	sld [smem:$0x3FB3]  }
0x2f: {  	lr =	sadd.s32 s0, s3;
	s0 =	sld [smem:$0x3FAA]  }
0x30: {  	s3 =	sld [smem:$0x3FAD]  }
0x31: {  	[smem:$0x3FB6] =	sst s10  }
0x32: {  	s10 =	sld [smem:$0x3FB4];
	_ =	sdelay $0x3  }
0x33: {  	p0 =	seq.s32 s10, $0x1;
	s10 =	sld [smem:$0x3FB6];
	_ =	sdelay $0x3  }
0x34: {  	[smem:$0x3FB6] =	sst s10  }
0x35: {  	s10 =	sld [smem:$0x3FB5];
	_ =	sdelay $0x3  }
0x36: {  	p1 =	seq.s32 s10, $0x1;
	s10 =	sld [smem:$0x3FB6];
	_ =	sdelay $0x3  }
0x37: {  	[smem:$0x3FB6] =	sst s10  }
0x38: {  	s10 =	sld [smem:$0x3FB7]  }
0x39: {  	_ = 	snop;
	(pc) =	sbr.ind lr, $3  }
0x3a: {  	_ = 	snop  }
0x3b: {  	_ = 	snop  }
0x3c: {  	p2 =	seq.s32 s10, $0x1;
	s10 =	sld [smem:$0x3FB6]  }
0x3d: {  	_ =	shalt  }
0x3e: {  	_ =	shalt  }
0x3f: {  	_ =	shalt  }
0x40: {  	_ =	shalt  }
0x41: {  	_ =	shalt  }
0x42: {  	_ =	shalt  }
0x43: {  	_ =	shalt  }
0x44: {  	_ =	shalt  }
0x45: {  	_ =	shalt  }
0x46: {  	_ =	shalt  }
0x47: {  	_ =	shalt  }
0x48: {  	_ =	shalt  }
0x49: {  	_ =	shalt  }
0x4a: {  	_ =	shalt  }
0x4b: {  	_ =	shalt  }
0x4c: {  	_ =	shalt  }
0x4d: {  	_ =	shalt  }
0x4e: {  	_ =	shalt  }
0x4f: {  	_ =	shalt  }
0x50: {  	_ =	shalt  }
0x51: {  	_ =	shalt  }
0x52: {  	_ =	shalt  }
0x53: {  	_ =	shalt  }
0x54: {  	_ =	shalt  }
0x55: {  	_ =	shalt  }
0x56: {  	_ =	shalt  }
0x57: {  	_ =	shalt  }
0x58: {  	_ =	shalt  }
0x59: {  	_ =	shalt  }
0x5a: {  	_ =	shalt  }
0x5b: {  	_ =	shalt  }
0x5c: {  	_ =	shalt  }
0x5d: {  	_ =	shalt  }
0x5e: {  	_ =	shalt  }
0x5f: {  	_ =	shalt  }
0x60: {  	_ =	shalt  }
0x61: {  	_ =	shalt  }
0x62: {  	_ =	shalt  }
0x63: {  	_ =	shalt  }
0x64: {  	_ =	shalt  }
0x65: {  	_ =	shalt  }
0x66: {  	_ =	shalt  }
0x67: {  	_ =	shalt  }
0x68: {  	_ =	shalt  }
0x69: {  	_ =	shalt  }
0x6a: {  	_ =	shalt  }
0x6b: {  	_ =	shalt  }
0x6c: {  	_ =	shalt  }
0x6d: {  	_ =	shalt  }
0x6e: {  	_ =	shalt  }
0x6f: {  	_ =	shalt  }
0x70: {  	_ =	shalt  }
0x71: {  	_ =	shalt  }
0x72: {  	_ =	shalt  }
0x73: {  	_ =	shalt  }
0x74: {  	_ =	shalt  }
0x75: {  	_ =	shalt  }
0x76: {  	_ =	shalt  }
0x77: {  	_ =	shalt  }
0x78: {  	_ =	shalt  }
0x79: {  	_ =	shalt  }
0x7a: {  	_ =	shalt  }
0x7b: {  	_ =	shalt  }
0x7c: {  	_ =	shalt  }
0x7d: {  	_ =	shalt  }
0x7e: {  	_ =	shalt  }
0x7f: {  	_ =	shalt  }
0x80: {  	_ =	shalt  }
0x81: {  	_ =	shalt  }
0x82: {  	_ =	shalt  }
0x83: {  	_ =	shalt  }
0x84: {  	_ =	shalt  }
0x85: {  	_ =	shalt  }
0x86: {  	_ =	shalt  }
0x87: {  	_ =	shalt  }
.Lfunc_end0:
.L_simem_size_0:
called_computation_lowered:
.L_overlay_start_0:
0x88: {  	s2 =	sld [smem:$0x3FD9]  }
0x89: {  	s3 =	sld [smem:$0x3FFE];
	_ =	sdelay $0x1  }
0x8a: {  	s1 =	srdreg.scid  }
0x8b: {  	s0 =	sand.u32 $0x1, s1  }
0x8c: {  	s17 =	sshll.u32 s0, $0xA;
	s2 =	sadd.s32 s3, s2  }
0x8d: {  	s2 =	sadd.s32 s2, s17  }
0x8e: {  	[smem:$0x3FC2] =	sst s2  }
0x8f: {  	_ = 	snop  }
0x90: {  	s2 =	sld [smem:$0x3FD0];
	(tm) =	ssettm $0x1  }
0x91: {  	s18 =	sld [smem:$0x3FFB];
	_ =	sdelay $0x3  }
0x92: {  	_ =	strace s18  }
0x93: {  	s3 =	sld [smem:$0x3FFC];
	_ =	sdelay $0x3  }
0x94: {  	_ =	strace s3  }
0x95: {  	s3 =	sld [smem:$0x3FFD];
	_ =	sdelay $0x3  }
0x96: {  	_ =	strace s3  }
0x97: {  	_ =	strace $0x8FFFFFFF  }
0x98: {  	s19 =	sld [smem:$0x3FDB];
	_ =	sdelay $0x1  }
0x99: {  	s4 =	simm.s32 $_scs_section_size  }
0x9a: {  	s5 =	simm.s32 $_size__tile_overlayer_lowered;
	s6 =	simm.s32 $_tile_overlayer_lowered  }
0x9b: {  	s22 =	simm.s32 $0x1BFF;
	s21 =	sshll.u32 s6, $0x1;
	s3 =	sadd.s32 s4, s19  }
0x9c: {  	s7 =	simm.s32 $0x0;
	s20 =	sshll.u32 s5, $0x1;
	s5 =	sadd.s32 s21, s3  }
0x9d: {  	[timem:s7], [sflag:s22] =	dma.local [hbm:s5], s20  }
0x9e: {  	_ =	swait.ge [sflag:s22], s20  }
0x9f: {  	s4 =	ssub.s32 $0x0, s20;
	[sflag:s22] =	ssyncset.done $0x0  }
0xa0: {  	[sflag:s22] =	ssyncadd.s32 s4;
	_ =	sdelay $0x1  }
0xa1: {  	s23 =	simm.s32 $0x1B8B  }
0xa2: {  	_ =	swait.ge [sflag:s23], $0x1  }
0xa3: {  	[sflag:s23] =	ssyncset.done $0x0  }
0xa4: {  	s25 =	simm.s32 $0x1B8E;
	s24 =	sld [smem:$0x3FFE];
	[sflag:s23] =	ssyncadd.s32 $0xFFFFFFFF  }
0xa5: {  	s26 =	simm.s32 $execute0_lowered;
	[smem:$0x3FD2] =	sst s25  }
0xa6: {  	s5 =	sshll.u32 s26, $0x1;
	_ =	strace $0x80000046;
	[dreg:$0x1] =	wrdreg $0xFFFFFFFF  }
0xa7: {  	s28 =	simm.s32 $_size_execute0_lowered;
	s3 =	sadd.s32 s3, s5;
	[dreg:$0x0] =	wrdreg $0x0  }
0xa8: {  	s5 =	sshll.u32 s28, $0x1;
	[dreg:$0x2] =	wrdreg s3  }
0xa9: {  	[dreg:$0x3] =	wrdreg s5  }
0xaa: {  	[dreg:$0x4] =	wrdreg $0xC0  }
0xab: {  	_ =	task [dreg:s7], $0x5FFFF  }
0xac: {  	[dreg:$0x1] =	wrdreg $0xFFFFFFFF  }
0xad: {  	[dreg:$0x0] =	wrdreg $0x60  }
0xae: {  	[dreg:$0x2] =	wrdreg s24  }
0xaf: {  	[dreg:$0x3] =	wrdreg s2  }
0xb0: {  	[dreg:$0x4] =	wrdreg $0x9  }
0xb1: {  	_ =	task.clear_ibuf [dreg:s7], $0x5FFFF;
	_ =	strace $0x90000046  }
0xb2: {  	s29 =	simm.s32 $0x9;
	_ =	strace $0x80000048  }
0xb3: {  	_ =	swait.ge [sflag:s29], $0x1  }
0xb4: {  	[sflag:s29] =	ssyncadd.s32 $0xFFFFFFFF  }
0xb5: {  	_ =	strace $0x90000048  }
0xb6: {  	_ =	sfence  }
0xb7: {  	s30 =	sld [smem:$0x0];
	_ =	sdelay $0x2  }
0xb8: {  	s31 =	sshll.u32 s1, $0xD;
	s1 =	sshrl.u32 s1, $0x2  }
0xb9: {  	s3 =	sand.u32 $0x4000, s31;
	s1 =	sadd.s32 s1, s30  }
0xba: {  	s0 =	sor.u32 s3, s0;
	s1 =	sshll.u32 s1, $0x11  }
0xbb: {  	s0 =	sor.u32 s1, s0  }
0xbc: {  	s0 =	sadd.s32 $0x8F2B, s0  }
0xbd: {  	[sflag:s0] =	ssyncadd.remote.s32 $0x1  }
0xbe: {  	_ =	sfence.sel $0xFFFF  }
0xbf: {  	[dreg:$0x0] =	wrdreg $0xFFFFFFFF;
	(pc) =	sbr.abs _section_cstart, $3  }
0xc0: {  	[dreg:$0x1] =	wrdreg $0xFFFFFFFF  }
0xc1: {  	_ =	task.clear_ibuf [dreg:s7], $0x2FFFF;
	_ =	strace $0x9FFFFFFF  }
0xc2: {  	(tm) =	ssettm $0x7FFFFFFF  }
0xc3: {  	_ =	shalt  }
tec
execute0_lowered:
.L_overlay_start_1:
0x0: {  	(tag) =	ssettag $0x1  }
0x1: {  	s4 =	rddreg [dreg:$0x0]  }
0x2: {  	s5 =	rddreg [dreg:$0x1]  }
0x3: {  	s0 =	rddreg [dreg:$0x2]  }
0x4: {  	s2 =	simm.s32 $0x0;
	s3 =	srdreg.scid;
	s1 =	stileid.u32  }
0x5: {  	[smem:$0x7FF] =	sst s2;
	s6 =	sand.u32 $0x1, s3;
	s3 =	sadd.s32 $0x600, s4  }
0x6: {  	s8 =	sshll.u32 s1, $0x1;
	s4 =	sadd.s32 $0x800, s4;
	s7 =	ssub.s32 $0x2, s6  }
0x7: {  	_ =	strace $0x80000047;
	s6 =	sor.u32 s6, s8;
	s9 =	sshrl.u32 s7, $0x1  }
0x8: {  	s8 =	sshll.u32 s6, $0x1;
	s31 =	sshll.u32 s6, $0x3;
	s10 =	sshllo.u32 s6, $0x1  }
0x9: {  	s7 =	ssub.s32 s7, s9;
	s5 =	sadd.s32 s5, s31;
	v0 =	vmov s8;
	s8 =	simm.s32 $0x100  }
0xa: {  	v1 =	vmov s10;
	s9 =	simm.s32 $0x200;
	s6 =	smax.u32 s7, $0x1;
	s7 =	simm.s32 $0x1  }
.LBB2_1:
0xb: {  	[tilespmem:s2], [sflag:$0x1] =	stream.linear.gather [hbm4b:s3+s2], $0x100, $0x38;
	[tilespmem:$0x280] =	vst v63  }
0xc: {  	_ =	swait.ge [sflag:s7], $0x100  }
0xd: {  	[sflag:s7] =	ssyncset.done $0x0  }
0xe: {  	[sflag:s7] =	ssyncadd.s32 $0xFFFFFF00  }
0xf: {  	[tilespmem:s8], [sflag:$0x1] =	stream.linear.gather [hbm4b:s4+s2], $0x100, $0x38;
	[tilespmem:$0x280] =	vst v63  }
0x10: {  	_ =	swait.ge [sflag:s7], $0x100  }
0x11: {  	[sflag:s7] =	ssyncset.done $0x0  }
0x12: {  	[sflag:s7] =	ssyncadd.s32 $0xFFFFFF00  }
0x13: {  	v2 =	vld [tilespmem:$0x0]  }
0x14: {  	v3 =	vld [tilespmem:$0x100]  }
0x15: {  	v4 =	vld [tilespmem:$0x20]  }
0x16: {  	v5 =	vld [tilespmem:$0x120]  }
0x17: {  	v6 =	vld [tilespmem:$0x40]  }
0x18: {  	v7 =	vld [tilespmem:$0x140]  }
0x19: {  	v8 =	vld [tilespmem:$0x60]  }
0x1a: {  	v9 =	vld [tilespmem:$0x160]  }
0x1b: {  	v10 =	vld [tilespmem:$0x80]  }
0x1c: {  	v11 =	vld [tilespmem:$0x180]  }
0x1d: {  	v12 =	vld [tilespmem:$0xA0]  }
0x1e: {  	v13 =	vld [tilespmem:$0x1A0]  }
0x1f: {  	v14 =	vld [tilespmem:$0xC0]  }
0x20: {  	v15 =	vld [tilespmem:$0x1C0]  }
0x21: {  	v16 =	vld [tilespmem:$0xE0]  }
0x22: {  	v17 =	vld [tilespmem:$0x1E0]  }
0x23: {  	v18 =	vld [tilespmem:$0x10]  }
0x24: {  	v19 =	vld [tilespmem:$0x110]  }
0x25: {  	v20 =	vld [tilespmem:$0x30]  }
0x26: {  	v21 =	vld [tilespmem:$0x130]  }
0x27: {  	v22 =	vld [tilespmem:$0x50]  }
0x28: {  	v23 =	vld [tilespmem:$0x150]  }
0x29: {  	v24 =	vld [tilespmem:$0x70]  }
0x2a: {  	v25 =	vld [tilespmem:$0x170]  }
0x2b: {  	v26 =	vld [tilespmem:$0x90]  }
0x2c: {  	v27 =	vld [tilespmem:$0x190]  }
0x2d: {  	v28 =	vld [tilespmem:$0xB0]  }
0x2e: {  	v29 =	vld [tilespmem:$0x1B0]  }
0x2f: {  	v30 =	vld [tilespmem:$0xD0]  }
0x30: {  	v31 =	vld [tilespmem:$0x1D0]  }
0x31: {  	v32 =	vld [tilespmem:$0xF0]  }
0x32: {  	v33 =	vld [tilespmem:$0x1F0]  }
0x33: {  	v34 =	vld [tilespmem:$0x0]  }
0x34: {  	v35 =	vld [tilespmem:$0x100]  }
0x35: {  	v36 =	vld [tilespmem:$0x20]  }
0x36: {  	v37 =	vld [tilespmem:$0x120]  }
0x37: {  	v38 =	vld [tilespmem:$0x40]  }
0x38: {  	v51 =	vld [tilespmem:$0x60];
	v3 =	vadd.f32 $0.0e+00, v3;
	vm0 =	veq.s32 v2, v0;
	vm1 =	veq.s32 v4, v0  }
0x39: {  	v52 =	vld [tilespmem:$0x160];
	v50 =	vadd.f32 $0.0e+00, v19;
	vm10 =	veq.s32 v6, v0;
	vm11 =	veq.s32 v18, v0  }
0x3a: {  	v53 =	vld [tilespmem:$0x80];
	vm12 =	veq.s32 v20, v0;
	vm13 =	veq.s32 v8, v0;
	vm14 =	veq.s32 v22, v0  }
0x3b: {  	v55 =	vld [tilespmem:$0x180];
	vm15 =	veq.s32 v10, v0;
	vm4 =	veq.s32 v24, v0;
	vm5 =	veq.s32 v12, v0  }
0x3c: {  	v39 =	vld [tilespmem:$0x130];
	vm6 =	veq.s32 v26, v0;
	vm7 =	veq.s32 v14, v0;
	vm8 =	veq.s32 v28, v0  }
0x3d: {  	v41 =	vld [tilespmem:$0x50];
	vm9 =	veq.s32 v16, v0;
	v35 =	vadd.f32 $0.0e+00, v35;
	v4 =	vnsel vm1, $0x0, v5  }
0x3e: {  	v44 =	vld [tilespmem:$0x70];
	v6 =	vnsel vm10, $0x0, v7;
	v54 =	vnsel vm12, $0x0, v21;
	v56 =	vnsel vm13, $0x0, v9  }
0x3f: {  	v47 =	vld [tilespmem:$0x90];
	v57 =	vnsel vm14, $0x0, v23;
	v59 =	vnsel vm15, $0x0, v11;
	v60 =	vnsel vm4, $0x0, v25  }
0x40: {  	v42 =	vld [tilespmem:$0x150];
	v62 =	vnsel vm5, $0x0, v13;
	v23 =	vnsel vm6, $0x0, v27;
	v25 =	vnsel vm7, $0x0, v15  }
0x41: {  	v45 =	vld [tilespmem:$0x170];
	v27 =	vnsel vm8, $0x0, v29;
	v29 =	vnsel vm9, $0x0, v17;
	vm10 =	veq.s32 v30, v0  }
0x42: {  	v2 =	vld [tilespmem:$0x140];
	vm12 =	veq.s32 v34, v1;
	vm13 =	veq.s32 v36, v1;
	vm4 =	veq.s32 v38, v1  }
0x43: {  	v26 =	vld [tilespmem:$0x110];
	vm5 =	veq.s32 v41, v1;
	vm6 =	veq.s32 v51, v1;
	vm7 =	veq.s32 v44, v1  }
0x44: {  	v28 =	vld [tilespmem:$0x10];
	vm8 =	veq.s32 v53, v1;
	vm9 =	veq.s32 v47, v1;
	v3 =	vnsel vm0, $0x0, v3  }
0x45: {  	v30 =	vld [tilespmem:$0x30];
	v5 =	vnsel vm11, $0x0, v50;
	v31 =	vnsel vm10, $0x0, v31;
	vm11 =	veq.s32 v32, v0  }
0x46: {  	v9 =	vld [tilespmem:$0xA0];
	v20 =	vnsel vm12, $0x0, v35;
	v43 =	vnsel vm13, $0x0, v37;
	v3 =	vadd.f32 v4, v3  }
0x47: {  	v11 =	vld [tilespmem:$0xC0];
	v49 =	vnsel vm5, $0x0, v42;
	v5 =	vadd.f32 v54, v5;
	v40 =	vnsel vm11, $0x0, v33  }
0x48: {  	v53 =	vld [tilespmem:$0xD0];
	v4 =	vnsel vm6, $0x0, v52;
	v52 =	vnsel vm7, $0x0, v45;
	v3 =	vadd.f32 v6, v3  }
0x49: {  	v48 =	vld [tilespmem:$0x190];
	v54 =	vnsel vm8, $0x0, v55;
	v5 =	vadd.f32 v57, v5;
	v15 =	vadd.f32 $0.0e+00, v26  }
0x4a: {  	v58 =	vld [tilespmem:$0x1A0];
	vm14 =	veq.s32 v28, v1;
	v6 =	vadd.f32 v43, v20;
	vm15 =	veq.s32 v30, v1  }
0x4b: {  	v50 =	vld [tilespmem:$0xB0];
	v2 =	vnsel vm4, $0x0, v2;
	v15 =	vnsel vm14, $0x0, v15;
	v46 =	vnsel vm15, $0x0, v39  }
0x4c: {  	v61 =	vld [tilespmem:$0x1C0];
	vm10 =	veq.s32 v9, v1;
	vm12 =	veq.s32 v11, v1;
	v15 =	vadd.f32 v46, v15  }
0x4d: {  	v63 =	vld [tilespmem:$0xE0];
	vm13 =	veq.s32 v53, v1;
	v3 =	vadd.f32 v56, v3;
	v2 =	vadd.f32 v2, v6  }
0x4e: {  	v51 =	vld [tilespmem:$0x1B0];
	v5 =	vadd.f32 v60, v5;
	v56 =	vnsel vm9, $0x0, v48;
	v6 =	vadd.f32 v49, v15  }
0x4f: {  	v24 =	vld [tilespmem:$0x1E0];
	v58 =	vnsel vm10, $0x0, v58;
	v3 =	vadd.f32 v59, v3;
	v2 =	vadd.f32 v4, v2  }
0x50: {  	v55 =	vld [tilespmem:$0x1D0];
	vm11 =	veq.s32 v50, v1;
	v5 =	vadd.f32 v23, v5;
	v4 =	vadd.f32 v52, v6  }
0x51: {  	v57 =	vld [tilespmem:$0xF0];
	v61 =	vnsel vm12, $0x0, v61;
	v3 =	vadd.f32 v62, v3;
	v2 =	vadd.f32 v54, v2  }
0x52: {  	vm14 =	veq.s32 v63, v1;
	v59 =	vld [tilespmem:$0x1F0];
	v5 =	vadd.f32 v27, v5;
	v4 =	vadd.f32 v56, v4  }
0x53: {  	v60 =	vnsel vm11, $0x0, v51;
	v3 =	vadd.f32 v25, v3;
	v2 =	vadd.f32 v58, v2  }
0x54: {  	v63 =	vnsel vm14, $0x0, v24;
	v5 =	vadd.f32 v31, v5;
	v4 =	vadd.f32 v60, v4  }
0x55: {  	v62 =	vnsel vm13, $0x0, v55;
	v3 =	vadd.f32 v29, v3;
	v2 =	vadd.f32 v61, v2  }
0x56: {  	vm15 =	veq.s32 v57, v1;
	v5 =	vadd.f32 v40, v5;
	v4 =	vadd.f32 v62, v4  }
0x57: {  	[tilespmem:$0x200] =	vst v3;
	v2 =	vadd.f32 v63, v2;
	v3 =	vnsel vm15, $0x0, v59  }
0x58: {  	[tilespmem:$0x210] =	vst v5;
	v3 =	vadd.f32 v3, v4  }
0x59: {  	p0 =	sne.s32 s6, $0x1;
	[tilespmem:$0x220] =	vst v2  }
.Ltmp0:
0x5a: {  	[tilespmem:$0x230] =	vst v3;
	(pc) =	sbr.rel @p0 .LBB2_1-.Ltmp0, $4  }
0x5b: {  	[hbm4b:s5+s2] =	stream.linear.scatter [tilespmem:s9], [sflag:$0x1], $0x40, $0x38;
	[tilespmem:$0x280] =	vst v63  }
0x5c: {  	_ =	swait.ge [sflag:s7], $0x40  }
0x5d: {  	[sflag:s7] =	ssyncset.done $0x0  }
0x5e: {  	s6 =	sadd.s32 $0xFFFFFFFF, s6;
	[sflag:s7] =	ssyncadd.s32 $0xFFFFFFC0  }
0x5f: {  	_ =	sfence.sel $0x180000  }
0x60: {  	[bflag:$0x0] =	sbarrier.arrive $0xFFFF  }
0x61: {  	p0 =	sne.s32 s1, $0x0;
	_ =	strace $0x90000047  }
0x62: {  	s0 =	sadd.s32 @!p0 $0x100000, s0;
	[bflag:$0x2] =	sbarrier.arrive $0xFFFF  }
0x63: {  	[sflag:s0] =	ssyncadd.tile.s32 @!p0 $0x1;
	_ =	shalt  }
.Lfunc_end2:
_tile_overlayer_lowered:
.L_overlay_start_2:
0x64: {  	(tag) =	ssettag $0x2  }
0x65: {  	s0 =	rddreg [dreg:$0x0];
	s2 =	stileid.u32  }
0x66: {  	s1 =	rddreg [dreg:$0x1];
	p0 =	sne.s32 s2, $0x0  }
0x67: {  	s3 =	rddreg [dreg:$0x2];
	[bflag:$0x3] =	sbarrier.arrive $0xFFFF;
	s2 =	simm.s32 @!p0 $0x1C01  }
0x68: {  	[timem:s3], [sflag:s2] =	dma.local @!p0 [hbm:s0], s1  }
0x69: {  	s0 =	simm.s32 @!p0 $0x1  }
0x6a: {  	_ =	swait.ge @!p0 [sflag:s0], s1  }
0x6b: {  	s1 =	ssub.s32 @!p0 $0x0, s1;
	[sflag:s0] =	ssyncset.done @!p0 $0x0  }
0x6c: {  	[sflag:s0] =	ssyncadd.s32 @!p0 s1  }
0x6d: {  	[bflag:$0x3] =	sbarrier.arrive $0xFFFF  }
0x6e: {  	_ =	shalt  }

</sc_bundles>
